<compile_context>
chip_gen: v7x
topology: tpu7x:2x2x1
jax: 0.10.2.dev20260603
libtpu: 0.0.44.dev20260713+nightly
codegen_flags: <defaults>
</compile_context>

<pallas_src>
import functools

import jax
import jax.numpy as jnp
from jax import lax
from jax.experimental import pallas as pl
from jax.experimental.pallas import tpu as pltpu, tpu_sc as plsc

_ROWS = 100000
_NW = 32
_RPW = _ROWS // _NW
_CHUNK = 125
_NCHUNK = _RPW // _CHUNK

_mesh = plsc.VectorSubcoreMesh(core_axis_name="c", subcore_axis_name="s")


@functools.partial(
    pl.kernel,
    mesh=_mesh,
    out_type=(
        jax.ShapeDtypeStruct((_ROWS, 240), jnp.float32),
        jax.ShapeDtypeStruct((_ROWS, 240), jnp.float32),
    ),
    scratch_types=[
        pltpu.VMEM((_CHUNK, 480), jnp.float32),
        pltpu.VMEM((_CHUNK, 240), jnp.float32),
        pltpu.VMEM((_CHUNK, 240), jnp.float32),
        pltpu.SemaphoreType.DMA,
        pltpu.SemaphoreType.DMA,
    ],
    compiler_params=pltpu.CompilerParams(use_tc_tiling_on_sc=False),
)
def _half_split(x_hbm, out0_hbm, out1_hbm, ib, ob0, ob1, si, so):
    wid = lax.axis_index("s") * 2 + lax.axis_index("c")
    base = wid * _RPW

    def step(c, carry):
        r0 = base + c * _CHUNK
        din = pltpu.make_async_copy(
            x_hbm.at[pl.ds(r0, _CHUNK), :], ib, si)
        din.start()
        din.wait()
        d0 = pltpu.make_async_copy(ob0, out0_hbm.at[pl.ds(r0, _CHUNK), :], so)
        d1 = pltpu.make_async_copy(ob1, out1_hbm.at[pl.ds(r0, _CHUNK), :], so)
        d0.start()
        d1.start()
        d0.wait()
        d1.wait()
        return carry

    lax.fori_loop(0, _NCHUNK, step, 0)


def kernel(x):
    return _half_split(x)

# --- scband reference (transcript-rebuilt; emitter-appended) ---
"""Pipeline reference for scband-half-irreps-6605659702016 (READ-ONLY COPY).

The authoritative reference and input builder live on the scoring server;
editing this copy changes nothing except your own understanding.
"""

import jax, jax.numpy as jnp
import numpy as np

# irreps_in = 128x0e + 64x1o + 32x2e  -> (mul, ir.dim) pairs
_IRREPS = [(128, 1), (64, 3), (32, 5)]

def _make_columns():
    cols0 = []
    cols1 = []
    ix = 0
    for mul, dim in _IRREPS:
        assert mul % 2 == 0
        n_half = mul // 2
        cols0.extend(range(ix, ix + n_half * dim))
        cols1.extend(range(ix + n_half * dim, ix + mul * dim))
        ix += mul * dim
    return np.asarray(cols0, dtype=np.int64), np.asarray(cols1, dtype=np.int64)

_COLS0, _COLS1 = _make_columns()


def setup_inputs(seed: int = 0) -> dict:
    key = jax.random.key(seed)
    x = jax.random.normal(key, (100000, 480), dtype=jnp.float32)
    return {"x": x}


def reference(x):
    cols0 = jnp.asarray(_COLS0)
    cols1 = jnp.asarray(_COLS1)
    out0 = jnp.take(x, cols0, axis=1)
    out1 = jnp.take(x, cols1, axis=1)
    return (out0, out1)

if __name__ == "__main__":
    import jax
    _d = setup_inputs()
    print(jax.jit(kernel)(*tuple(_d.values())))

</pallas_src>

<mosaic_0001>
#map = affine_map<(d0, d1) -> (0, 0)>
module attributes {stable_mosaic.version = 14 : i64} {
  func.func @_half_split(%arg0: i32, %arg1: i32, %arg2: memref<100000x480xf32, #tpu.memory_space<hbm>>, %arg3: memref<100000x240xf32, #tpu.memory_space<hbm>>, %arg4: memref<100000x240xf32, #tpu.memory_space<hbm>>, %arg5: memref<125x480xf32, #tpu.memory_space<vmem>>, %arg6: memref<125x240xf32, #tpu.memory_space<vmem>>, %arg7: memref<125x240xf32, #tpu.memory_space<vmem>>, %arg8: memref<!tpu.dma_semaphore, #tpu.memory_space<semaphore_mem>>, %arg9: memref<!tpu.dma_semaphore, #tpu.memory_space<semaphore_mem>>) attributes {dimension_semantics = [#tpu.dimension_semantics<core_parallel>, #tpu.dimension_semantics<subcore_parallel>], iteration_bounds = array<i64: 2, 16>, scalar_prefetch = 0 : i64, scratch_operands = 5 : i64, tpu.core_type = #tpu.core_type<sc_vector_subcore>, window_params = [{transform_indices = #map}, {transform_indices = #map}, {transform_indices = #map}]} {
    %mul3A = arith.constant 2 : i32
    %mul3A_0 = arith.muli %arg1, %mul3A : i32
    %add3A = arith.addi %mul3A_0, %arg0 : i32
    %mul3A_1 = arith.constant 3125 : i32
    %mul3A_2 = arith.muli %add3A, %mul3A_1 : i32
    %scan3A = arith.constant 0 : i32
    %scan3A_3 = arith.constant 0 : i32
    %scan3A_4 = arith.constant 25 : i32
    %scan3A_5 = arith.addi %scan3A_3, %scan3A_4 : i32
    %scan3A_6 = arith.constant 1 : i32
    scf.for %scan3A_8 = %scan3A_3 to %scan3A_5 step %scan3A_6  : i32 {
      %mul3A_9 = arith.constant 125 : i32
      %mul3A_10 = arith.muli %scan3A_8, %mul3A_9 : i32
      %add3A_11 = arith.addi %mul3A_2, %mul3A_10 : i32
      %dma_start3A = arith.constant 0 : i32
      %dma_start3A_12 = tpu.memref_slice %arg2[%add3A_11, %dma_start3A] : memref<100000x480xf32, #tpu.memory_space<hbm>> -> memref<125x480xf32, #tpu.memory_space<hbm>>
      %dma_start3A_13 = arith.constant 0 : i32
      %dma_start3A_14 = tpu.memref_slice %arg2[%add3A_11, %dma_start3A_13] : memref<100000x480xf32, #tpu.memory_space<hbm>> -> memref<125x480xf32, #tpu.memory_space<hbm>>
      tpu.enqueue_dma source(%dma_start3A_14 : memref<125x480xf32, #tpu.memory_space<hbm>>) target(%arg5 : memref<125x480xf32, #tpu.memory_space<vmem>>) target_semaphore(%arg8 : memref<!tpu.dma_semaphore, #tpu.memory_space<semaphore_mem>>)
      %dma_wait3A = arith.constant 0 : i32
      %dma_wait3A_15 = tpu.memref_slice %arg2[%add3A_11, %dma_wait3A] : memref<100000x480xf32, #tpu.memory_space<hbm>> -> memref<125x480xf32, #tpu.memory_space<hbm>>
      %dma_wait3A_16 = arith.constant 0 : i32
      %dma_wait3A_17 = tpu.memref_slice %arg2[%add3A_11, %dma_wait3A_16] : memref<100000x480xf32, #tpu.memory_space<hbm>> -> memref<125x480xf32, #tpu.memory_space<hbm>>
      tpu.wait_dma2 semaphore(%arg8 : memref<!tpu.dma_semaphore, #tpu.memory_space<semaphore_mem>>) src(%dma_wait3A_17 : memref<125x480xf32, #tpu.memory_space<hbm>>) dst(%arg5 : memref<125x480xf32, #tpu.memory_space<vmem>>)
      %dma_start3A_18 = arith.constant 0 : i32
      %dma_start3A_19 = tpu.memref_slice %arg3[%add3A_11, %dma_start3A_18] : memref<100000x240xf32, #tpu.memory_space<hbm>> -> memref<125x240xf32, #tpu.memory_space<hbm>>
      %dma_start3A_20 = arith.constant 0 : i32
      %dma_start3A_21 = tpu.memref_slice %arg3[%add3A_11, %dma_start3A_20] : memref<100000x240xf32, #tpu.memory_space<hbm>> -> memref<125x240xf32, #tpu.memory_space<hbm>>
      tpu.enqueue_dma source(%arg6 : memref<125x240xf32, #tpu.memory_space<vmem>>) target(%dma_start3A_21 : memref<125x240xf32, #tpu.memory_space<hbm>>) target_semaphore(%arg9 : memref<!tpu.dma_semaphore, #tpu.memory_space<semaphore_mem>>)
      %dma_start3A_22 = arith.constant 0 : i32
      %dma_start3A_23 = tpu.memref_slice %arg4[%add3A_11, %dma_start3A_22] : memref<100000x240xf32, #tpu.memory_space<hbm>> -> memref<125x240xf32, #tpu.memory_space<hbm>>
      %dma_start3A_24 = arith.constant 0 : i32
      %dma_start3A_25 = tpu.memref_slice %arg4[%add3A_11, %dma_start3A_24] : memref<100000x240xf32, #tpu.memory_space<hbm>> -> memref<125x240xf32, #tpu.memory_space<hbm>>
      tpu.enqueue_dma source(%arg7 : memref<125x240xf32, #tpu.memory_space<vmem>>) target(%dma_start3A_25 : memref<125x240xf32, #tpu.memory_space<hbm>>) target_semaphore(%arg9 : memref<!tpu.dma_semaphore, #tpu.memory_space<semaphore_mem>>)
      %dma_wait3A_26 = arith.constant 0 : i32
      %dma_wait3A_27 = tpu.memref_slice %arg3[%add3A_11, %dma_wait3A_26] : memref<100000x240xf32, #tpu.memory_space<hbm>> -> memref<125x240xf32, #tpu.memory_space<hbm>>
      %dma_wait3A_28 = arith.constant 0 : i32
      %dma_wait3A_29 = tpu.memref_slice %arg3[%add3A_11, %dma_wait3A_28] : memref<100000x240xf32, #tpu.memory_space<hbm>> -> memref<125x240xf32, #tpu.memory_space<hbm>>
      tpu.wait_dma2 semaphore(%arg9 : memref<!tpu.dma_semaphore, #tpu.memory_space<semaphore_mem>>) src(%arg6 : memref<125x240xf32, #tpu.memory_space<vmem>>) dst(%dma_wait3A_29 : memref<125x240xf32, #tpu.memory_space<hbm>>)
      %dma_wait3A_30 = arith.constant 0 : i32
      %dma_wait3A_31 = tpu.memref_slice %arg4[%add3A_11, %dma_wait3A_30] : memref<100000x240xf32, #tpu.memory_space<hbm>> -> memref<125x240xf32, #tpu.memory_space<hbm>>
      %dma_wait3A_32 = arith.constant 0 : i32
      %dma_wait3A_33 = tpu.memref_slice %arg4[%add3A_11, %dma_wait3A_32] : memref<100000x240xf32, #tpu.memory_space<hbm>> -> memref<125x240xf32, #tpu.memory_space<hbm>>
      tpu.wait_dma2 semaphore(%arg9 : memref<!tpu.dma_semaphore, #tpu.memory_space<semaphore_mem>>) src(%arg7 : memref<125x240xf32, #tpu.memory_space<vmem>>) dst(%dma_wait3A_33 : memref<125x240xf32, #tpu.memory_space<hbm>>)
    }
    %scan3A_7 = arith.constant 25 : i32
    return
  }
}

</mosaic_0001>

<sc_bundles>
// kernel: kernel.3.cloned.1.call-start
scs
__scs_entry_jumppad:
0x0: {  	(pc) =	sbr.rel $0x88, $3  }
0x1: {  	(tag) =	ssettag $0x0;
	lr =	simm.s32 $0x1  }
0x2: {  	[smem:$0x3FA0] =	sst lr;
	_ =	strace $0xD0000000  }
0x3: {  	_ = 	snop  }
0x4: {  	_ = 	snop  }
0x5: {  	_ = 	snop  }
0x6: {  	_ = 	snop  }
0x7: {  	_ = 	snop  }
__scs_overlays_trampoline_lowered:
0x8: {  	[smem:$0x3FAF] =	sst s0  }
0x9: {  	[smem:$0x3FB0] =	sst s1  }
0xa: {  	[smem:$0x3FB1] =	sst s2  }
0xb: {  	[smem:$0x3FB2] =	sst s3  }
0xc: {  	[smem:$0x3FB3] =	sst s4  }
0xd: {  	[smem:$0x3FB4] =	sst s5  }
0xe: {  	[smem:$0x3FB5] =	sst s6  }
0xf: {  	[smem:$0x3FB6] =	sst s7  }
0x10: {  	[smem:$0x3FB7] =	sst s8  }
0x11: {  	[smem:$0x3FB8] =	sst s9;
	s0 =	simm.s32 @!p0 $0x0  }
0x12: {  	s1 =	sld [smem:$0x3F9E];
	s0 =	simm.s32 @p0 $0x1  }
0x13: {  	[smem:$0x3FB9] =	sst s0;
	s0 =	simm.s32 @!p1 $0x0  }
0x14: {  	s2 =	sld [smem:$0x3F9D];
	s0 =	simm.s32 @p1 $0x1  }
0x15: {  	[smem:$0x3FBA] =	sst s0;
	s0 =	simm.s32 @!p2 $0x0  }
0x16: {  	s3 =	sld [smem:$0x3FDB];
	s0 =	simm.s32 @p2 $0x1  }
0x17: {  	s4 =	simm.s32 $0x1BF5;
	[smem:$0x3FBC] =	sst s0  }
0x18: {  	s0 =	sld [smem:$0x3F9F];
	_ =	swait.ge [sflag:s4], $0x0  }
0x19: {  	s7 =	sld [smem:$0x3FA0]  }
0x1a: {  	s8 =	sadd.s32 $0xFFFFE003, lr  }
0x1b: {  	s9 =	sadd.s32 $0xFFFFFEF7, lr;
	s5 =	simm.s32 $0xFFFFFFFF;
	p2 =	slt.u32 s8, $0xFFFFF086  }
0x1c: {  	p1 =	slt.u32 s9, $0xF7A;
	s5 =	simm.s32 @!p2 $0x0  }
0x1d: {  	s5 =	simm.s32 @p1 $0x1;
	p0 =	seq.s32 s7, s2  }
0x1e: {  	s7 =	smul.u32 @!p0 $0xF7A, s2;
	p2 =	seq.s32 @!p0 s5, $0x0  }
0x1f: {  	s9 =	smul.u32 $0xF7A, s1;
	s8 =	simm.s32 @!p0 $0x1BF5;
	p2 =	por !p2, p0  }
0x20: {  	[sflag:s8] =	ssyncset.s32 @!p0 $0xFFFFF086;
	s6 =	sadd.s32 @!p0 s3, s7;
	s7 =	simm.s32 @!p0 $0x108  }
0x21: {  	s3 =	sadd.s32 s3, s9;
	s6 =	sadd.s32 @!p0 $0x88, s6;
	s7 =	simm.s32 @p2 $0x1082  }
0x22: {  	[simem:s7], [sflag:s8] =	dma.local @!p0 [hbm:s6], $0xF7A  }
0x23: {  	s9 =	sor.u32 $0xD0000000, s2;
	s6 =	simm.s32 $0x108;
	_ =	swait.ge @!p0 [sflag:s8], $0x0  }
0x24: {  	s3 =	sadd.s32 $0x88, s3;
	s6 =	simm.s32 @!p1 $0x1082;
	[sflag:s4] =	ssyncset.s32 $0xFFFFF086  }
0x25: {  	[simem:s6], [sflag:s4] =	dma.local [hbm:s3], $0xF7A  }
0x26: {  	[smem:$0x3FA0] =	sst s1;
	(tag) =	ssettag s2;
	_ =	strace s9  }
0x27: {  	s1 =	sld [smem:$0x3FB0]  }
0x28: {  	s2 =	sld [smem:$0x3FB1]  }
0x29: {  	s4 =	sld [smem:$0x3FB3]  }
0x2a: {  	p0 =	seq.s32 s5, $0x0;
	s5 =	sld [smem:$0x3FB4]  }
0x2b: {  	s6 =	sld [smem:$0x3FB5]  }
0x2c: {  	s7 =	sld [smem:$0x3FB6]  }
0x2d: {  	s3 =	simm.s32 $0x108;
	s8 =	sld [smem:$0x3FB7]  }
0x2e: {  	s3 =	simm.s32 @!p0 $0x1082;
	s9 =	sld [smem:$0x3FB8]  }
0x2f: {  	lr =	sadd.s32 s0, s3;
	s0 =	sld [smem:$0x3FAF]  }
0x30: {  	s3 =	sld [smem:$0x3FB2]  }
0x31: {  	[smem:$0x3FBB] =	sst s10  }
0x32: {  	s10 =	sld [smem:$0x3FB9];
	_ =	sdelay $0x3  }
0x33: {  	p0 =	seq.s32 s10, $0x1;
	s10 =	sld [smem:$0x3FBB];
	_ =	sdelay $0x3  }
0x34: {  	[smem:$0x3FBB] =	sst s10  }
0x35: {  	s10 =	sld [smem:$0x3FBA];
	_ =	sdelay $0x3  }
0x36: {  	p1 =	seq.s32 s10, $0x1;
	s10 =	sld [smem:$0x3FBB];
	_ =	sdelay $0x3  }
0x37: {  	[smem:$0x3FBB] =	sst s10  }
0x38: {  	s10 =	sld [smem:$0x3FBC]  }
0x39: {  	_ = 	snop;
	(pc) =	sbr.ind lr, $3  }
0x3a: {  	_ = 	snop  }
0x3b: {  	_ = 	snop  }
0x3c: {  	p2 =	seq.s32 s10, $0x1;
	s10 =	sld [smem:$0x3FBB]  }
0x3d: {  	_ =	shalt  }
0x3e: {  	_ =	shalt  }
0x3f: {  	_ =	shalt  }
0x40: {  	_ =	shalt  }
0x41: {  	_ =	shalt  }
0x42: {  	_ =	shalt  }
0x43: {  	_ =	shalt  }
0x44: {  	_ =	shalt  }
0x45: {  	_ =	shalt  }
0x46: {  	_ =	shalt  }
0x47: {  	_ =	shalt  }
0x48: {  	_ =	shalt  }
0x49: {  	_ =	shalt  }
0x4a: {  	_ =	shalt  }
0x4b: {  	_ =	shalt  }
0x4c: {  	_ =	shalt  }
0x4d: {  	_ =	shalt  }
0x4e: {  	_ =	shalt  }
0x4f: {  	_ =	shalt  }
0x50: {  	_ =	shalt  }
0x51: {  	_ =	shalt  }
0x52: {  	_ =	shalt  }
0x53: {  	_ =	shalt  }
0x54: {  	_ =	shalt  }
0x55: {  	_ =	shalt  }
0x56: {  	_ =	shalt  }
0x57: {  	_ =	shalt  }
0x58: {  	_ =	shalt  }
0x59: {  	_ =	shalt  }
0x5a: {  	_ =	shalt  }
0x5b: {  	_ =	shalt  }
0x5c: {  	_ =	shalt  }
0x5d: {  	_ =	shalt  }
0x5e: {  	_ =	shalt  }
0x5f: {  	_ =	shalt  }
0x60: {  	_ =	shalt  }
0x61: {  	_ =	shalt  }
0x62: {  	_ =	shalt  }
0x63: {  	_ =	shalt  }
0x64: {  	_ =	shalt  }
0x65: {  	_ =	shalt  }
0x66: {  	_ =	shalt  }
0x67: {  	_ =	shalt  }
0x68: {  	_ =	shalt  }
0x69: {  	_ =	shalt  }
0x6a: {  	_ =	shalt  }
0x6b: {  	_ =	shalt  }
0x6c: {  	_ =	shalt  }
0x6d: {  	_ =	shalt  }
0x6e: {  	_ =	shalt  }
0x6f: {  	_ =	shalt  }
0x70: {  	_ =	shalt  }
0x71: {  	_ =	shalt  }
0x72: {  	_ =	shalt  }
0x73: {  	_ =	shalt  }
0x74: {  	_ =	shalt  }
0x75: {  	_ =	shalt  }
0x76: {  	_ =	shalt  }
0x77: {  	_ =	shalt  }
0x78: {  	_ =	shalt  }
0x79: {  	_ =	shalt  }
0x7a: {  	_ =	shalt  }
0x7b: {  	_ =	shalt  }
0x7c: {  	_ =	shalt  }
0x7d: {  	_ =	shalt  }
0x7e: {  	_ =	shalt  }
0x7f: {  	_ =	shalt  }
0x80: {  	_ =	shalt  }
0x81: {  	_ =	shalt  }
0x82: {  	_ =	shalt  }
0x83: {  	_ =	shalt  }
0x84: {  	_ =	shalt  }
0x85: {  	_ =	shalt  }
0x86: {  	_ =	shalt  }
0x87: {  	_ =	shalt  }
.Lfunc_end0:
.L_simem_size_0:
called_computation.2_lowered:
.L_overlay_start_0:
0x88: {  	s2 =	sld [smem:$0x3FD9]  }
0x89: {  	s3 =	sld [smem:$0x3FFE];
	_ =	sdelay $0x1  }
0x8a: {  	s1 =	srdreg.scid  }
0x8b: {  	s0 =	sand.u32 $0x1, s1  }
0x8c: {  	s14 =	sshll.u32 s0, $0xA;
	s2 =	sadd.s32 s3, s2  }
0x8d: {  	s2 =	sadd.s32 s2, s14  }
0x8e: {  	[smem:$0x3FC7] =	sst s2  }
0x8f: {  	_ = 	snop  }
0x90: {  	s2 =	sld [smem:$0x3FD0];
	_ =	sdelay $0x2  }
0x91: {  	s15 =	simm.s32 $0xB;
	s4 =	simm.s32 $0x10  }
0x92: {  	[smem:s4], [sflag:s15] =	dma.local [hbm:s2], $0x1  }
0x93: {  	_ =	swait.eq [sflag:s15], $0x1  }
0x94: {  	[sflag:s15] =	ssyncset.done $0x0  }
0x95: {  	s16 =	sld [smem:$0x10];
	[sflag:s15] =	ssyncadd.s32 $0xFFFFFFFF  }
0x96: {  	s17 =	sld [smem:$0x11];
	(tm) =	ssettm $0x1  }
0x97: {  	s18 =	sld [smem:$0x3FFB];
	_ =	sdelay $0x3  }
0x98: {  	_ =	strace s18  }
0x99: {  	s4 =	sld [smem:$0x3FFC];
	_ =	sdelay $0x3  }
0x9a: {  	_ =	strace s4  }
0x9b: {  	s4 =	sld [smem:$0x3FFD];
	_ =	sdelay $0x3  }
0x9c: {  	_ =	strace s4  }
0x9d: {  	_ =	strace $0x8FFFFFFF  }
0x9e: {  	s19 =	sld [smem:$0x3FDB];
	_ =	sdelay $0x1  }
0x9f: {  	s5 =	simm.s32 $_scs_section_size  }
0xa0: {  	s6 =	simm.s32 $_size__tile_overlayer_lowered;
	s7 =	simm.s32 $_tile_overlayer_lowered  }
0xa1: {  	s22 =	simm.s32 $0x1BFF;
	s21 =	sshll.u32 s7, $0x1;
	s4 =	sadd.s32 s5, s19  }
0xa2: {  	s8 =	simm.s32 $0x0;
	s20 =	sshll.u32 s6, $0x1;
	s6 =	sadd.s32 s21, s4  }
0xa3: {  	[timem:s8], [sflag:s22] =	dma.local [hbm:s6], s20  }
0xa4: {  	_ =	swait.ge [sflag:s22], s20  }
0xa5: {  	s5 =	ssub.s32 $0x0, s20;
	[sflag:s22] =	ssyncset.done $0x0  }
0xa6: {  	[sflag:s22] =	ssyncadd.s32 s5;
	_ =	sdelay $0x1  }
0xa7: {  	s23 =	simm.s32 $0x1B8B  }
0xa8: {  	_ =	swait.ge [sflag:s23], $0x1  }
0xa9: {  	[sflag:s23] =	ssyncset.done $0x0  }
0xaa: {  	s25 =	simm.s32 $0x1B8E;
	s24 =	sld [smem:$0x3FFE];
	[sflag:s23] =	ssyncadd.s32 $0xFFFFFFFF  }
0xab: {  	s26 =	simm.s32 $execute0_lowered;
	[smem:$0x3FD2] =	sst s25  }
0xac: {  	s6 =	sshll.u32 s26, $0x1;
	_ =	strace $0x80000046;
	[dreg:$0x1] =	wrdreg $0xFFFFFFFF  }
0xad: {  	s28 =	simm.s32 $_size_execute0_lowered;
	s4 =	sadd.s32 s4, s6;
	[dreg:$0x0] =	wrdreg $0x0  }
0xae: {  	s6 =	sshll.u32 s28, $0x1;
	[dreg:$0x2] =	wrdreg s4  }
0xaf: {  	[dreg:$0x3] =	wrdreg s6  }
0xb0: {  	[dreg:$0x4] =	wrdreg $0xC0  }
0xb1: {  	_ =	task [dreg:s8], $0x5FFFF  }
0xb2: {  	[dreg:$0x1] =	wrdreg $0xFFFFFFFF  }
0xb3: {  	[dreg:$0x0] =	wrdreg $0x60  }
0xb4: {  	[dreg:$0x2] =	wrdreg s24  }
0xb5: {  	[dreg:$0x3] =	wrdreg s16  }
0xb6: {  	[dreg:$0x4] =	wrdreg s17  }
0xb7: {  	[dreg:$0x5] =	wrdreg $0x9  }
0xb8: {  	_ =	task.clear_ibuf [dreg:s8], $0x6FFFF;
	_ =	strace $0x90000046  }
0xb9: {  	s29 =	simm.s32 $0x9;
	_ =	strace $0x80000048  }
0xba: {  	_ =	swait.ge [sflag:s29], $0x1  }
0xbb: {  	[sflag:s29] =	ssyncadd.s32 $0xFFFFFFFF  }
0xbc: {  	_ =	strace $0x90000048  }
0xbd: {  	_ =	sfence  }
0xbe: {  	s30 =	sld [smem:$0x0];
	_ =	sdelay $0x2  }
0xbf: {  	s31 =	sshll.u32 s1, $0xD;
	s1 =	sshrl.u32 s1, $0x2  }
0xc0: {  	s3 =	sand.u32 $0x4000, s31;
	s1 =	sadd.s32 s1, s30  }
0xc1: {  	s0 =	sor.u32 s3, s0;
	s1 =	sshll.u32 s1, $0x11  }
0xc2: {  	s0 =	sor.u32 s1, s0  }
0xc3: {  	s0 =	sadd.s32 $0x8F2B, s0  }
0xc4: {  	[sflag:s0] =	ssyncadd.remote.s32 $0x1  }
0xc5: {  	_ =	sfence.sel $0xFFFF  }
0xc6: {  	[dreg:$0x0] =	wrdreg $0xFFFFFFFF;
	(pc) =	sbr.abs _section_cstart, $3  }
0xc7: {  	[dreg:$0x1] =	wrdreg $0xFFFFFFFF  }
0xc8: {  	_ =	task.clear_ibuf [dreg:s8], $0x2FFFF;
	_ =	strace $0x9FFFFFFF  }
0xc9: {  	(tm) =	ssettm $0x7FFFFFFF  }
tec
execute0_lowered:
.L_overlay_start_1:
0x0: {  	(tag) =	ssettag $0x1  }
0x1: {  	s3 =	rddreg [dreg:$0x0]  }
0x2: {  	s4 =	rddreg [dreg:$0x1]  }
0x3: {  	s5 =	rddreg [dreg:$0x2]  }
0x4: {  	s0 =	rddreg [dreg:$0x3];
	s1 =	stileid.u32  }
0x5: {  	s6 =	srdreg.scid;
	s7 =	smul.u32 $0x5B8D8, s1  }
0x6: {  	s2 =	simm.s32 $0x0;
	s6 =	sand.u32 $0x1, s6;
	s9 =	smul.u32 $0x2DC6C, s1  }
0x7: {  	[smem:$0x7FF] =	sst s2;
	s11 =	smul.u32 $0x16E36, s6  }
0x8: {  	s8 =	ssub.s32 $0x2, s6;
	_ =	strace $0x80000047;
	s6 =	smul.u32 $0x2DC6C, s6  }
0x9: {  	s10 =	sshrl.u32 s8, $0x1;
	s7 =	sadd.s32 s7, s3;
	s4 =	sadd.s32 s9, s4  }
0xa: {  	s5 =	sadd.s32 s9, s5;
	s9 =	simm.s32 $0x15F90;
	s31 =	ssub.s32 s8, s10  }
0xb: {  	s4 =	sadd.s32 s11, s4;
	s5 =	sadd.s32 s11, s5;
	s6 =	sadd.s32 s6, s7  }
0xc: {  	s7 =	simm.s32 $0x1;
	s8 =	simm.s32 $0xEA60;
	s10 =	simm.s32 $0x2  }
0xd: {  	s11 =	simm.s32 $0x0;
	s3 =	smax.u32 s31, $0x1;
	s6 =	sadd.s32 $0x61B800, s6  }
.LBB2_1:
0xe: {  	[tilespmem:s2], [sflag:$0x1] =	stream.linear.gather [hbm4b:s6+s2], $0xEA60, $0x38;
	[tilespmem:$0x1D4C0] =	vst v63  }
0xf: {  	_ =	swait.ge [sflag:s7], $0xEA60  }
0x10: {  	[sflag:s7] =	ssyncset.done $0x0  }
0x11: {  	s12 =	sadd.s32 $0x0, s4;
	[sflag:s7] =	ssyncadd.s32 $0xFFFF15A0  }
0x12: {  	[hbm4b:s12+s2] =	stream.linear.scatter [tilespmem:s8], [sflag:$0x2], $0x7530, $0x38;
	[tilespmem:$0x1D4C0] =	vst v63  }
0x13: {  	s31 =	sadd.s32 $0x0, s5  }
0x14: {  	[hbm4b:s31+s2] =	stream.linear.scatter [tilespmem:s9], [sflag:$0x2], $0x7530, $0x38;
	[tilespmem:$0x1D4C0] =	vst v63  }
0x15: {  	_ =	swait.ge [sflag:s10], $0x7530  }
0x16: {  	[sflag:s10] =	ssyncset.done $0x0  }
0x17: {  	[sflag:s10] =	ssyncadd.s32 $0xFFFF8AD0  }
0x18: {  	_ =	swait.ge [sflag:s10], $0x7530  }
0x19: {  	s13 =	smov.u32 s6;
	s12 =	simm.s32 $0xEA6;
	[sflag:s10] =	ssyncset.done $0x0  }
.LBB2_2:
0x1a: {  	p0 =	sne.s32 s12, $0x15F90;
	[sflag:s10] =	ssyncadd.s32 $0xFFFF8AD0;
	s13 =	sadd.s32 $0x1D4C, s13  }
0x1b: {  	[tilespmem:s2], [sflag:$0x1] =	stream.linear.gather [hbm4b:s13+s2], $0xEA60, $0x38;
	[tilespmem:$0x1D4C0] =	vst v63  }
0x1c: {  	s14 =	smov.u32 s12;
	s12 =	sadd.s32 $0xEA6, s12;
	_ =	swait.ge [sflag:s7], $0xEA60  }
0x1d: {  	[sflag:s7] =	ssyncset.done $0x0  }
0x1e: {  	s15 =	sadd.s32 s14, s4;
	[sflag:s7] =	ssyncadd.s32 $0xFFFF15A0  }
0x1f: {  	[hbm4b:s15+s2] =	stream.linear.scatter [tilespmem:s8], [sflag:$0x2], $0x7530, $0x38;
	[tilespmem:$0x1D4C0] =	vst v63  }
0x20: {  	s14 =	sadd.s32 s14, s5  }
0x21: {  	[hbm4b:s14+s2] =	stream.linear.scatter [tilespmem:s9], [sflag:$0x2], $0x7530, $0x38;
	[tilespmem:$0x1D4C0] =	vst v63  }
.Ltmp0:
0x22: {  	_ =	swait.ge [sflag:s10], $0x7530;
	(pc) =	sbr.rel @p0 .LBB2_2-.Ltmp0, $4  }
0x23: {  	[sflag:s10] =	ssyncset.done $0x0  }
0x24: {  	[sflag:s10] =	ssyncadd.s32 $0xFFFF8AD0  }
0x25: {  	_ =	swait.ge [sflag:s10], $0x7530  }
0x26: {  	[sflag:s10] =	ssyncset.done $0x0  }
0x27: {  	s11 =	sadd.s32 $0x1, s11  }
0x28: {  	p0 =	sne.s32 s11, s3  }
.Ltmp1:
0x29: {  	_ = 	snop;
	(pc) =	sbr.rel @p0 .LBB2_1-.Ltmp1, $2  }
0x2a: {  	_ =	sdelay $0x2  }
0x2b: {  	[sflag:s10] =	ssyncadd.s32 $0xFFFF8AD0  }
0x2c: {  	_ =	sfence.sel $0x180000  }
0x2d: {  	[bflag:$0x0] =	sbarrier.arrive $0xFFFF  }
0x2e: {  	p0 =	sne.s32 s1, $0x0;
	_ =	strace $0x90000047  }
0x2f: {  	s0 =	sadd.s32 @!p0 $0x100000, s0;
	[bflag:$0x2] =	sbarrier.arrive $0xFFFF  }
0x30: {  	[sflag:s0] =	ssyncadd.tile.s32 @!p0 $0x1;
	_ =	shalt  }
.Lfunc_end2:
_tile_overlayer_lowered:
.L_overlay_start_2:
0x31: {  	(tag) =	ssettag $0x2  }
0x32: {  	s0 =	rddreg [dreg:$0x0];
	s2 =	stileid.u32  }
0x33: {  	s1 =	rddreg [dreg:$0x1];
	p0 =	sne.s32 s2, $0x0  }
0x34: {  	s3 =	rddreg [dreg:$0x2];
	[bflag:$0x3] =	sbarrier.arrive $0xFFFF;
	s2 =	simm.s32 @!p0 $0x1C03  }
0x35: {  	[timem:s3], [sflag:s2] =	dma.local @!p0 [hbm:s0], s1  }
0x36: {  	s0 =	simm.s32 @!p0 $0x3  }
0x37: {  	_ =	swait.ge @!p0 [sflag:s0], s1  }
0x38: {  	s1 =	ssub.s32 @!p0 $0x0, s1;
	[sflag:s0] =	ssyncset.done @!p0 $0x0  }
0x39: {  	[sflag:s0] =	ssyncadd.s32 @!p0 s1  }
0x3a: {  	[bflag:$0x3] =	sbarrier.arrive $0xFFFF  }
0x3b: {  	_ =	shalt  }

// kernel: sparse-core-data-format-call.1.cloned.1.call-start
scs
called_computation.1_lowered:
.L_overlay_start_0:
0x0: {  	s2 =	sld [smem:$0x3FD9]  }
0x1: {  	s3 =	sld [smem:$0x3FFE];
	_ =	sdelay $0x1  }
0x2: {  	s1 =	srdreg.scid  }
0x3: {  	s0 =	sand.u32 $0x1, s1  }
0x4: {  	s15 =	sshll.u32 s0, $0xA;
	s2 =	sadd.s32 s3, s2  }
0x5: {  	s2 =	sadd.s32 s2, s15  }
0x6: {  	[smem:$0x3FC7] =	sst s2  }
0x7: {  	_ = 	snop  }
0x8: {  	s2 =	sld [smem:$0x3FD0];
	_ =	sdelay $0x2  }
0x9: {  	s16 =	simm.s32 $0xB;
	s4 =	simm.s32 $0x10  }
0xa: {  	[smem:s4], [sflag:s16] =	dma.local [hbm:s2], $0x1  }
0xb: {  	_ =	swait.eq [sflag:s16], $0x1  }
0xc: {  	[sflag:s16] =	ssyncset.done $0x0  }
0xd: {  	[sflag:s16] =	ssyncadd.s32 $0xFFFFFFFF  }
0xe: {  	s17 =	sld [smem:$0x10];
	(tm) =	ssettm $0x1  }
0xf: {  	s18 =	sld [smem:$0x3FFB];
	_ =	sdelay $0x3  }
0x10: {  	_ =	strace s18  }
0x11: {  	s3 =	sld [smem:$0x3FFC];
	_ =	sdelay $0x3  }
0x12: {  	_ =	strace s3  }
0x13: {  	s3 =	sld [smem:$0x3FFD];
	_ =	sdelay $0x3  }
0x14: {  	_ =	strace s3  }
0x15: {  	_ =	strace $0x8FFFFFFF  }
0x16: {  	s19 =	sld [smem:$0x3FDB];
	_ =	sdelay $0x1  }
0x17: {  	s20 =	simm.s32 $_scs_section_size  }
0x18: {  	s5 =	simm.s32 $_size__tile_overlayer_lowered;
	s6 =	simm.s32 $_tile_overlayer_lowered  }
0x19: {  	s23 =	simm.s32 $0x1BFF;
	s22 =	sshll.u32 s6, $0x1;
	s3 =	sadd.s32 s20, s19  }
0x1a: {  	s7 =	simm.s32 $0x0;
	s21 =	sshll.u32 s5, $0x1;
	s5 =	sadd.s32 s22, s3  }
0x1b: {  	[timem:s7], [sflag:s23] =	dma.local [hbm:s5], s21  }
0x1c: {  	_ =	swait.ge [sflag:s23], s21  }
0x1d: {  	s4 =	ssub.s32 $0x0, s21;
	[sflag:s23] =	ssyncset.done $0x0  }
0x1e: {  	[sflag:s23] =	ssyncadd.s32 s4;
	_ =	sdelay $0x1  }
0x1f: {  	s24 =	simm.s32 $0x1B8B  }
0x20: {  	_ =	swait.ge [sflag:s24], $0x1  }
0x21: {  	[sflag:s24] =	ssyncset.done $0x0  }
0x22: {  	s26 =	simm.s32 $0x1B8E;
	s25 =	sld [smem:$0x3FFE];
	[sflag:s24] =	ssyncadd.s32 $0xFFFFFFFF  }
0x23: {  	s27 =	simm.s32 $execute0_lowered;
	[smem:$0x3FD2] =	sst s26  }
0x24: {  	s5 =	sshll.u32 s27, $0x1;
	_ =	strace $0x80000049;
	[dreg:$0x1] =	wrdreg $0xFFFFFFFF  }
0x25: {  	s28 =	simm.s32 $_size_execute0_lowered;
	s3 =	sadd.s32 s3, s5;
	[dreg:$0x0] =	wrdreg $0x0  }
0x26: {  	s5 =	sshll.u32 s28, $0x1;
	[dreg:$0x2] =	wrdreg s3  }
0x27: {  	[dreg:$0x3] =	wrdreg s5  }
0x28: {  	[dreg:$0x4] =	wrdreg $0xC0  }
0x29: {  	_ =	task [dreg:s7], $0x5FFFF  }
0x2a: {  	[dreg:$0x1] =	wrdreg $0xFFFFFFFF  }
0x2b: {  	[dreg:$0x0] =	wrdreg $0x60  }
0x2c: {  	[dreg:$0x2] =	wrdreg s25  }
0x2d: {  	[dreg:$0x3] =	wrdreg s17  }
0x2e: {  	[dreg:$0x4] =	wrdreg $0xA  }
0x2f: {  	_ =	task.clear_ibuf [dreg:s7], $0x5FFFF;
	_ =	strace $0x90000049  }
0x30: {  	s29 =	simm.s32 $0xA;
	_ =	strace $0x8000004B  }
0x31: {  	_ =	swait.ge [sflag:s29], $0x1  }
0x32: {  	[sflag:s29] =	ssyncadd.s32 $0xFFFFFFFF  }
0x33: {  	_ =	strace $0x9000004B  }
0x34: {  	_ =	sfence  }
0x35: {  	s30 =	sld [smem:$0x0];
	_ =	sdelay $0x2  }
0x36: {  	s31 =	sshll.u32 s1, $0xD;
	s1 =	sshrl.u32 s1, $0x2  }
0x37: {  	s3 =	sand.u32 $0x4000, s31;
	s1 =	sadd.s32 s1, s30  }
0x38: {  	s0 =	sor.u32 s3, s0;
	s1 =	sshll.u32 s1, $0x11  }
0x39: {  	s0 =	sor.u32 s1, s0  }
0x3a: {  	s0 =	sadd.s32 $0x8F2B, s0  }
0x3b: {  	[sflag:s0] =	ssyncadd.remote.s32 $0x1  }
0x3c: {  	_ =	sfence.sel $0xFFFF  }
0x3d: {  	[dreg:$0x0] =	wrdreg $0xFFFFFFFF;
	(pc) =	sbr.abs _section_cstart, $3  }
0x3e: {  	[dreg:$0x1] =	wrdreg $0xFFFFFFFF  }
0x3f: {  	_ =	task.clear_ibuf [dreg:s7], $0x2FFFF;
	_ =	strace $0x9FFFFFFF  }
0x40: {  	(tm) =	ssettm $0x7FFFFFFF  }
0x41: {  	_ =	shalt  }
tec
execute0_lowered:
.L_overlay_start_1:
0x0: {  	(tag) =	ssettag $0x1  }
0x1: {  	s3 =	rddreg [dreg:$0x0]  }
0x2: {  	s2 =	rddreg [dreg:$0x1]  }
0x3: {  	s0 =	rddreg [dreg:$0x2];
	_ =	strace $0x8000004A;
	s1 =	stileid.u32  }
0x4: {  	s5 =	srdreg.scid;
	s6 =	simm.s32 $0x1;
	s8 =	simm.s32 $0x2  }
0x5: {  	s15 =	simm.s32 $0x0;
	s10 =	simm.s32 $0xC3800;
	s16 =	simm.s32 $0x0  }
.Ltmp0:
0x6: {  	s11 =	simm.s32 $0x0;
	s13 =	simm.s32 $0x0;
	(pc) =	sbr.rel .LBB1_1-.Ltmp0, $4  }
0x7: {  	s14 =	simm.s32 $0x0;
	s3 =	sadd.s32 $0x1000, s3;
	s4 =	sshll.u32 s1, $0x7  }
0x8: {  	s5 =	sshll.u32 s5, $0x7;
	[sflag:s6] =	ssyncpa.u1 $0x0;
	s7 =	ssub.s32 $0x18680, s4  }
0x9: {  	s5 =	sand.u32 $0x80, s5;
	[sflag:s8] =	ssyncpa.u1 $0x0;
	s7 =	sshrl.u32 s7, $0xB  }
0xa: {  	s12 =	smov.u32 s4;
	s8 =	sshll.u32 s5, $0x3;
	s9 =	sadd.s32 $0x2, s7  }
.LBB1_7:
0xb: {  	s19 =	sshrl.u32 s11, $0x3  }
0xc: {  	s20 =	sshll.u32 s13, $0x3;
	s19 =	smul.u32 $0xC3800, s19  }
0xd: {  	s20 =	sand.u32 $0xFFFFFC00, s20  }
0xe: {  	s19 =	sadd.s32 s20, s19  }
0xf: {  	s21 =	smulhi.u32 $0xA79C7B17, s19  }
0x10: {  	s26 =	sand.u32 $0x7F, s13  }
0x11: {  	p0 =	sgt.s32 s13, $0x18680;
	s22 =	smov.u32 s13;
	s21 =	sshrl.u32 s21, $0x10  }
0x12: {  	s22 =	simm.s32 @!p0 $0x18680;
	s19 =	sor.u32 s26, s19;
	s23 =	smul.u32 $0x8889, s21  }
0x13: {  	p0 =	sgt.s32 s11, $0x70;
	s17 =	sadd.s32 s17, s22;
	s20 =	smulhi.u32 $0xA79C7B17, s19  }
0x14: {  	s28 =	sadd.s32 $0xFFFE7980, s17;
	s17 =	ssub.s32 $0x18700, s17;
	s27 =	sshrl.u32 s23, $0x17  }
0x15: {  	s20 =	sshrl.u32 s20, $0x10;
	s23 =	smov.u32 s11;
	s22 =	smul.u32 $0xF0, s27  }
0x16: {  	p1 =	sgt.s32 s28, $0x7F;
	s20 =	smul.u32 $0x18700, s20;
	s23 =	simm.s32 @!p0 $0x70  }
0x17: {  	s17 =	simm.s32 @p1 $0x0;
	s29 =	ssub.s32 $0xF0, s23;
	s21 =	ssub.s32 s21, s22  }
0x18: {  	s19 =	ssub.s32 s19, s20;
	s17 =	smul.u32 s29, s17;
	s30 =	sand.u32 $0xFFFF, s21  }
0x19: {  	s31 =	sshrl.u32 s19, $0x3;
	s19 =	sand.u32 $0x7, s19;
	s20 =	smul.u32 $0x30E0, s30  }
0x1a: {  	s18 =	sor.u32 $0x8000, s18;
	s19 =	sshll.u32 s19, $0x12;
	s21 =	sadd.s32 s2, s31  }
0x1b: {  	s19 =	sor.u32 $0x400, s19;
	s17 =	sand.u32 $0x3FFFFFF0, s17;
	s20 =	sadd.s32 s20, s21  }
0x1c: {  	[hbm4b:s20+s19] =	stream.strided.scatter [tilespmem:s18], [sflag:$0x2], s17, s10, s19, $0x20;
	[tilespmem:$0x10100] =	vst v63  }
.LBB1_8:
0x1d: {  	p0 =	slt.u32 s14, $0x2  }
0x1e: {  	p1 =	sgt.s32 @!p0 s16, $0x18680  }
0x1f: {  	s17 =	smov.u32 s16;
	s18 =	sshra.s32 @!p0 s16, $0x1F;
	p1 =	por !p1, p0  }
0x20: {  	s16 =	sand.u32 @!p0 s18, s16;
	s17 =	simm.s32 @p1 $0x18680  }
0x21: {  	s16 =	ssub.s32 @!p0 s17, s16  }
0x22: {  	p1 =	sgt.s32 @!p0 s15, $0x70;
	s17 =	sadd.s32 @!p0 $0xFFFE7980, s16  }
0x23: {  	s18 =	sadd.s32 $0x800, s12;
	p1 =	por !p1, p0;
	p2 =	sgt.s32 @!p0 s17, $0x7F  }
0x24: {  	s15 =	simm.s32 @p1 $0x70;
	s16 =	ssub.s32 @!p0 $0x18700, s16;
	p1 =	por !p2, p0  }
0x25: {  	s15 =	ssub.s32 @!p0 $0xF0, s15;
	s16 =	simm.s32 @!p1 $0x0;
	p1 =	sgt.s32 s18, $0x1869F  }
0x26: {  	s15 =	smul.u32 @!p0 s15, s16;
	s18 =	smov.u32 @p1 s4;
	p1 =	sne.s32 s14, s9  }
.Ltmp1:
0x27: {  	s20 =	sadd.s32 $0x1, s14;
	(pc) =	sbr.rel @!p1 .LBB1_9-.Ltmp1, $4  }
0x28: {  	s17 =	simm.s32 @!p0 $0x2;
	s16 =	smov.u32 s13;
	s15 =	sand.u32 @!p0 $0x3FFFFFFF, s15  }
0x29: {  	s13 =	smov.u32 s12;
	s14 =	smov.u32 s20;
	_ =	swait.ge @!p0 [sflag:s17], s15  }
0x2a: {  	s12 =	smov.u32 s18;
	s19 =	ssub.s32 @!p0 $0x0, s15;
	[sflag:s17] =	ssyncset.done @!p0 $0x0  }
0x2b: {  	s15 =	smov.u32 s11;
	s11 =	smov.u32 s5;
	[sflag:s17] =	ssyncadd.s32 @!p0 s19  }
.LBB1_1:
0x2c: {  	p0 =	sgt.u32 s14, s7  }
0x2d: {  	s17 =	sshll.u32 @!p0 s12, $0x8  }
0x2e: {  	s18 =	sshll.u32 @!p0 s12, $0x7;
	s17 =	sand.u32 @!p0 $0xFFFFF800, s17  }
0x2f: {  	s18 =	sand.u32 @!p0 $0x300, s18;
	s17 =	sor.u32 @!p0 s8, s17  }
0x30: {  	s17 =	sor.u32 @!p0 s18, s17  }
0x31: {  	s19 =	smov.u32 s12;
	p1 =	sgt.s32 @!p0 s12, $0x18620;
	s17 =	sshrl.u32 @!p0 s17, $0x8  }
0x32: {  	s20 =	sshra.s32 @!p0 s12, $0x1F;
	p1 =	por !p1, p0;
	s18 =	smulhi.u32 @!p0 $0x14F8B59, s17  }
0x33: {  	s20 =	sand.u32 @!p0 s20, s12;
	s19 =	simm.s32 @p1 $0x18620  }
0x34: {  	s21 =	sxor.u32 @!p0 $0xFFFFFFFF, s14;
	s19 =	ssub.s32 @!p0 s19, s20;
	s18 =	sshrl.u32 @!p0 s18, $0x9  }
0x35: {  	s20 =	sshll.u32 @!p0 s21, $0xE;
	s19 =	sadd.s32 @!p0 $0xFFFE79E0, s19;
	s18 =	smul.u32 @!p0 $0x186A0, s18  }
0x36: {  	s21 =	simm.s32 @!p0 $0x800;
	s20 =	sand.u32 @!p0 $0x4000, s20;
	p1 =	sgt.s32 @!p0 s19, $0x7F  }
0x37: {  	s17 =	ssub.s32 @!p0 s17, s18;
	s18 =	sshll.u32 @!p0 s19, $0x7;
	s19 =	sshll.u32 @!p0 s12, $0x4  }
0x38: {  	p1 =	por !p1, p0;
	s18 =	ssub.s32 @!p0 $0x4000, s18;
	s19 =	sand.u32 @!p0 $0x10, s19  }
0x39: {  	s17 =	sshll.u32 @!p0 s17, $0x5;
	s18 =	sand.u32 @!p0 $0x3FFFFF80, s18;
	s19 =	sadd.s32 @!p0 s3, s19  }
0x3a: {  	s18 =	simm.s32 @!p1 $0x0;
	s17 =	sadd.s32 @!p0 s17, s19;
	s19 =	simm.s32 @!p0 $0x400  }
0x3b: {  	[tilespmem:s20], [sflag:$0x1] =	stream.strided.gather @!p0 [hbm4b:s17+s19], s18, s21, s19, $0x38;
	[tilespmem:$0x10100] =	vst v63  }
0x3c: {  	p0 =	seq.s32 s14, $0x0  }
0x3d: {  	p1 =	sge.u32 @!p0 s14, s9  }
0x3e: {  	p0 =	por p0, p1  }
.Ltmp2:
0x3f: {  	_ = 	snop;
	(pc) =	sbr.rel @p0 .LBB1_8-.Ltmp2, $1  }
0x40: {  	_ =	sdelay $0x3  }
0x41: {  	s17 =	ssub.s32 $0x0, s13  }
0x42: {  	s18 =	sshra.s32 s13, $0x1F;
	p0 =	sgt.s32 s13, $0x18620;
	s19 =	smov.u32 s13  }
0x43: {  	s17 =	sand.u32 s17, s18;
	s19 =	simm.s32 @!p0 $0x18620  }
0x44: {  	s18 =	sadd.s32 s17, s19;
	s19 =	sadd.s32 $0x80, s13  }
0x45: {  	s21 =	smov.u32 s11;
	p0 =	slt.s32 s19, $0x186A0  }
0x46: {  	s18 =	sadd.s32 $0xFFFE79E0, s18;
	s19 =	simm.s32 @!p0 $0x186A0;
	p0 =	slt.s32 s11, $0x70  }
0x47: {  	s20 =	sshll.u32 s18, $0x7;
	p1 =	sgt.s32 s18, $0x7F;
	s21 =	simm.s32 @!p0 $0x70  }
0x48: {  	s30 =	ssub.s32 $0x4000, s20;
	s19 =	ssub.s32 s19, s13;
	s31 =	ssub.s32 s21, s11  }
0x49: {  	s18 =	sand.u32 $0x3FFFFF80, s30;
	p0 =	slt.s32 s19, $0x1;
	s20 =	sadd.s32 $0x80, s31  }
0x4a: {  	s18 =	simm.s32 @p1 $0x0;
	p1 =	seq.s32 @!p0 s20, $0x0  }
0x4b: {  	p1 =	por p0, p1  }
.Ltmp3:
0x4c: {  	_ = 	snop;
	(pc) =	sbr.rel @p1 .LBB1_7-.Ltmp3, $4  }
0x4d: {  	_ = 	snop  }
0x4e: {  	_ =	swait.ge [sflag:s6], s18  }
0x4f: {  	s21 =	sand.u32 $0x1, s14;
	s18 =	ssub.s32 $0x0, s18;
	[sflag:s6] =	ssyncset.done $0x0  }
0x50: {  	[sflag:s6] =	ssyncadd.s32 s18;
	s18 =	smul.u32 $0x4080, s21  }
0x51: {  	_ = 	snop  }
0x52: {  	s21 =	sshll.u32 @!p0 s21, $0xE;
	s23 =	simm.s32 $0x0;
	s22 =	sor.u32 @!p0 $0x8000, s18  }
.LBB1_4:
0x53: {  	s24 =	sshll.u32 s23, $0x7;
	s25 =	sshrl.u32 s23, $0x4  }
0x54: {  	s27 =	sand.u32 $0x7F, s23;
	s28 =	simm.s32 $0x0;
	s26 =	sand.u32 $0x380, s24  }
0x55: {  	s29 =	simm.s32 $0x0;
	s27 =	sadd.s32 s27, s22;
	s26 =	sadd.s32 s26, s21  }
.LBB1_5:
0x56: {  	s30 =	sand.u32 $0x3C00, s28  }
0x57: {  	s30 =	sadd.s32 s24, s30  }
0x58: {  	s30 =	sand.u32 $0x3C00, s30  }
0x59: {  	s31 =	sand.u32 $0x70, s29;
	s30 =	sadd.s32 s30, s26  }
0x5a: {  	s30 =	sadd.s32 s31, s30;
	s31 =	sadd.s32 s29, s25  }
0x5b: {  	s29 =	sadd.s32 $0x10, s29;
	s31 =	sand.u32 $0x78, s31  }
0x5c: {  	v0 =	vld [tilespmem:s30+$0x0];
	p0 =	slt.u32 s29, s20;
	s30 =	smul.u32 $0x204, s31  }
.Ltmp4:
0x5d: {  	_ = 	snop;
	(pc) =	sbr.rel @p0 .LBB1_5-.Ltmp4, $4  }
0x5e: {  	_ = 	snop  }
0x5f: {  	s30 =	sshrl.u32 s30, $0x2  }
0x60: {  	s30 =	sadd.s32 s30, s27  }
0x61: {  	s28 =	sadd.s32 $0x80, s28;
	[tilespmem:s30+$0x0 ss:$0x81] =	vst.msk $0xffff, v0  }
0x62: {  	s23 =	sadd.s32 $0x1, s23  }
0x63: {  	p0 =	sne.s32 s23, s19  }
.Ltmp5:
0x64: {  	_ = 	snop;
	(pc) =	sbr.rel @p0 .LBB1_4-.Ltmp5, $4  }
.Ltmp6:
0x65: {  	_ = 	snop;
	(pc) =	sbr.rel @!p0 .LBB1_7-.Ltmp6, $4  }
0x66: {  	_ = 	snop  }
0x67: {  	_ = 	snop  }
0x68: {  	_ = 	snop  }
0x69: {  	_ = 	snop  }
.LBB1_9:
0x6a: {  	_ =	sfence.sel $0x180000  }
0x6b: {  	s2 =	simm.s32 $0x1;
	[bflag:$0x0] =	sbarrier.arrive $0xFFFF  }
0x6c: {  	s31 =	simm.s32 $0x2;
	[sflag:s2] =	ssyncpa.u1 $0x1  }
0x6d: {  	[sflag:s31] =	ssyncpa.u1 $0x1  }
0x6e: {  	p0 =	sne.s32 s1, $0x0;
	_ =	strace $0x9000004A  }
0x6f: {  	s0 =	sadd.s32 @!p0 $0x100000, s0;
	[bflag:$0x2] =	sbarrier.arrive $0xFFFF  }
0x70: {  	[sflag:s0] =	ssyncadd.tile.s32 @!p0 $0x1;
	_ =	shalt  }
.Lfunc_end1:
_tile_overlayer_lowered:
.L_overlay_start_2:
0x71: {  	(tag) =	ssettag $0x2  }
0x72: {  	s0 =	rddreg [dreg:$0x0];
	s2 =	stileid.u32  }
0x73: {  	s1 =	rddreg [dreg:$0x1];
	p0 =	sne.s32 s2, $0x0  }
0x74: {  	s3 =	rddreg [dreg:$0x2];
	[bflag:$0x3] =	sbarrier.arrive $0xFFFF;
	s2 =	simm.s32 @!p0 $0x1C01  }
0x75: {  	[timem:s3], [sflag:s2] =	dma.local @!p0 [hbm:s0], s1  }
0x76: {  	s0 =	simm.s32 @!p0 $0x1  }
0x77: {  	_ =	swait.ge @!p0 [sflag:s0], s1  }
0x78: {  	s1 =	ssub.s32 @!p0 $0x0, s1;
	[sflag:s0] =	ssyncset.done @!p0 $0x0  }
0x79: {  	[sflag:s0] =	ssyncadd.s32 @!p0 s1  }
0x7a: {  	[bflag:$0x3] =	sbarrier.arrive $0xFFFF  }
0x7b: {  	_ =	shalt  }

// kernel: sparse-core-data-format-call.cloned.1.call-start
scs
called_computation_lowered:
.L_overlay_start_0:
0x0: {  	s2 =	sld [smem:$0x3FD9]  }
0x1: {  	s3 =	sld [smem:$0x3FFE];
	_ =	sdelay $0x1  }
0x2: {  	s1 =	srdreg.scid  }
0x3: {  	s0 =	sand.u32 $0x1, s1  }
0x4: {  	s16 =	sshll.u32 s0, $0xA;
	s2 =	sadd.s32 s3, s2  }
0x5: {  	s2 =	sadd.s32 s2, s16  }
0x6: {  	[smem:$0x3FC7] =	sst s2  }
0x7: {  	_ = 	snop  }
0x8: {  	s2 =	sld [smem:$0x3FD0];
	_ =	sdelay $0x2  }
0x9: {  	s17 =	simm.s32 $0xB;
	s4 =	simm.s32 $0x10  }
0xa: {  	[smem:s4], [sflag:s17] =	dma.local [hbm:s2], $0x1  }
0xb: {  	_ =	swait.eq [sflag:s17], $0x1  }
0xc: {  	[sflag:s17] =	ssyncset.done $0x0  }
0xd: {  	[sflag:s17] =	ssyncadd.s32 $0xFFFFFFFF  }
0xe: {  	s18 =	sld [smem:$0x11];
	(tm) =	ssettm $0x1  }
0xf: {  	s19 =	sld [smem:$0x3FFB];
	_ =	sdelay $0x3  }
0x10: {  	_ =	strace s19  }
0x11: {  	s2 =	sld [smem:$0x3FFC];
	_ =	sdelay $0x3  }
0x12: {  	_ =	strace s2  }
0x13: {  	s2 =	sld [smem:$0x3FFD];
	_ =	sdelay $0x3  }
0x14: {  	_ =	strace s2  }
0x15: {  	_ =	strace $0x8FFFFFFF  }
0x16: {  	s20 =	sld [smem:$0x3FDB];
	_ =	sdelay $0x1  }
0x17: {  	s21 =	simm.s32 $_scs_section_size  }
0x18: {  	s5 =	simm.s32 $_size__tile_overlayer_lowered;
	s6 =	simm.s32 $_tile_overlayer_lowered  }
0x19: {  	s7 =	simm.s32 $0x1BFF;
	s22 =	sshll.u32 s6, $0x1;
	s4 =	sadd.s32 s21, s20  }
0x1a: {  	s23 =	simm.s32 $0x0;
	s5 =	sshll.u32 s5, $0x1;
	s6 =	sadd.s32 s22, s4  }
0x1b: {  	[timem:s23], [sflag:s7] =	dma.local [hbm:s6], s5  }
0x1c: {  	_ =	swait.ge [sflag:s7], s5  }
0x1d: {  	s5 =	ssub.s32 $0x0, s5;
	[sflag:s7] =	ssyncset.done $0x0  }
0x1e: {  	[sflag:s7] =	ssyncadd.s32 s5;
	_ =	sdelay $0x1  }
0x1f: {  	s24 =	simm.s32 $0x1B8B  }
0x20: {  	_ =	swait.ge [sflag:s24], $0x1  }
0x21: {  	[sflag:s24] =	ssyncset.done $0x0  }
0x22: {  	[sflag:s24] =	ssyncadd.s32 $0xFFFFFFFF  }
0x23: {  	s5 =	sld [smem:$0x0]  }
0x24: {  	s6 =	sand.u32 $0xFFFFFFFE, s1  }
0x25: {  	p0 =	sne.s32 s1, s6  }
0x26: {  	s6 =	sshll.u32 @p0 s6, $0xE  }
0x27: {  	s6 =	sadd.s32 @p0 $0x11B8D, s6;
	s7 =	sshll.u32 @p0 s5, $0x11  }
0x28: {  	s6 =	sor.u32 @p0 s7, s6  }
0x29: {  	[sflag:s6] =	ssyncadd.remote.s32 @p0 $0x1;
	_ =	sdelay $0x1  }
0x2a: {  	s6 =	simm.s32 @p0 $0x1B8D  }
0x2b: {  	_ =	swait.eq @p0 [sflag:s6], $0x1  }
0x2c: {  	[sflag:s6] =	ssyncadd.s32 @p0 $0xFFFFFFFF  }
0x2d: {  	s7 =	sshll.u32 @!p0 s1, $0xE  }
0x2e: {  	s7 =	sor.u32 @!p0 $0x4000, s7;
	s6 =	simm.s32 @!p0 $0x1B8D  }
0x2f: {  	s5 =	sshll.u32 @!p0 s5, $0x11;
	s7 =	sadd.s32 @!p0 $0x11B8D, s7;
	_ =	swait.eq @!p0 [sflag:s6], $0x1  }
0x30: {  	s5 =	sor.u32 @!p0 s5, s7;
	[sflag:s6] =	ssyncadd.s32 @!p0 $0xFFFFFFFF  }
0x31: {  	s26 =	simm.s32 $0x1B8E;
	s25 =	sld [smem:$0x3FFE];
	[sflag:s5] =	ssyncadd.remote.s32 @!p0 $0x1  }
0x32: {  	s27 =	simm.s32 $execute0_lowered;
	[smem:$0x3FD2] =	sst s26  }
0x33: {  	s6 =	sshll.u32 s27, $0x1;
	_ =	strace $0x8000004C;
	[dreg:$0x1] =	wrdreg $0xFFFFFFFF  }
0x34: {  	s28 =	simm.s32 $_size_execute0_lowered;
	s4 =	sadd.s32 s4, s6;
	[dreg:$0x0] =	wrdreg $0x0  }
0x35: {  	s6 =	sshll.u32 s28, $0x1;
	[dreg:$0x2] =	wrdreg s4  }
0x36: {  	[dreg:$0x3] =	wrdreg s6  }
0x37: {  	[dreg:$0x4] =	wrdreg $0xC0  }
0x38: {  	_ =	task [dreg:s23], $0x5FFFF  }
0x39: {  	[dreg:$0x1] =	wrdreg $0xFFFFFFFF  }
0x3a: {  	[dreg:$0x0] =	wrdreg $0x60  }
0x3b: {  	[dreg:$0x2] =	wrdreg s25  }
0x3c: {  	[dreg:$0x3] =	wrdreg s18  }
0x3d: {  	[dreg:$0x4] =	wrdreg $0x9  }
0x3e: {  	_ =	task.clear_ibuf [dreg:s23], $0x5FFFF;
	_ =	strace $0x9000004C  }
0x3f: {  	s29 =	simm.s32 $0x9;
	_ =	strace $0x8000004E  }
0x40: {  	_ =	swait.ge [sflag:s29], $0x1  }
0x41: {  	[sflag:s29] =	ssyncadd.s32 $0xFFFFFFFF  }
0x42: {  	_ =	strace $0x9000004E  }
0x43: {  	_ =	sfence  }
0x44: {  	s30 =	sld [smem:$0x0];
	_ =	sdelay $0x2  }
0x45: {  	s31 =	sshll.u32 s1, $0xD;
	s1 =	sshrl.u32 s1, $0x2  }
0x46: {  	s4 =	sand.u32 $0x4000, s31;
	s1 =	sadd.s32 s1, s30  }
0x47: {  	s0 =	sor.u32 s4, s0;
	s1 =	sshll.u32 s1, $0x11  }
0x48: {  	s0 =	sor.u32 s1, s0  }
0x49: {  	s0 =	sadd.s32 $0x8F2B, s0  }
0x4a: {  	[sflag:s0] =	ssyncadd.remote.s32 $0x1  }
0x4b: {  	_ =	sfence.sel $0xFFFF  }
0x4c: {  	[dreg:$0x0] =	wrdreg $0xFFFFFFFF;
	(pc) =	sbr.abs _section_cstart, $3  }
0x4d: {  	[dreg:$0x1] =	wrdreg $0xFFFFFFFF  }
0x4e: {  	_ =	task.clear_ibuf [dreg:s23], $0x2FFFF;
	_ =	strace $0x9FFFFFFF  }
0x4f: {  	(tm) =	ssettm $0x7FFFFFFF  }
tec
execute0_lowered:
.L_overlay_start_1:
0x0: {  	(tag) =	ssettag $0x1  }
0x1: {  	s3 =	rddreg [dreg:$0x0]  }
0x2: {  	s2 =	rddreg [dreg:$0x1]  }
0x3: {  	s0 =	rddreg [dreg:$0x2];
	_ =	strace $0x8000004D;
	s1 =	stileid.u32  }
0x4: {  	s5 =	srdreg.scid;
	s6 =	simm.s32 $0x1;
	s8 =	simm.s32 $0x2  }
0x5: {  	s15 =	simm.s32 $0x0;
	s10 =	simm.s32 $0xC3800;
	s16 =	simm.s32 $0x0  }
.Ltmp0:
0x6: {  	s11 =	simm.s32 $0x0;
	s13 =	simm.s32 $0x0;
	(pc) =	sbr.rel .LBB1_1-.Ltmp0, $4  }
0x7: {  	s14 =	simm.s32 $0x0;
	s3 =	sadd.s32 $0x30E400, s3;
	s4 =	sshll.u32 s1, $0x7  }
0x8: {  	s5 =	sshll.u32 s5, $0x7;
	[sflag:s6] =	ssyncpa.u1 $0x0;
	s7 =	ssub.s32 $0x18680, s4  }
0x9: {  	s5 =	sand.u32 $0x80, s5;
	[sflag:s8] =	ssyncpa.u1 $0x0;
	s7 =	sshrl.u32 s7, $0xB  }
0xa: {  	s12 =	smov.u32 s4;
	s8 =	sshll.u32 s5, $0x3;
	s9 =	sadd.s32 $0x2, s7  }
.LBB1_7:
0xb: {  	s19 =	sshrl.u32 s11, $0x3  }
0xc: {  	s20 =	sshll.u32 s13, $0x3;
	s19 =	smul.u32 $0xC3800, s19  }
0xd: {  	s20 =	sand.u32 $0xFFFFFC00, s20  }
0xe: {  	s19 =	sadd.s32 s20, s19  }
0xf: {  	s21 =	smulhi.u32 $0xA79C7B17, s19  }
0x10: {  	s26 =	sand.u32 $0x7F, s13  }
0x11: {  	p0 =	sgt.s32 s13, $0x18680;
	s22 =	smov.u32 s13;
	s21 =	sshrl.u32 s21, $0x10  }
0x12: {  	s22 =	simm.s32 @!p0 $0x18680;
	s19 =	sor.u32 s26, s19;
	s23 =	smul.u32 $0x8889, s21  }
0x13: {  	p0 =	sgt.s32 s11, $0x70;
	s17 =	sadd.s32 s17, s22;
	s20 =	smulhi.u32 $0xA79C7B17, s19  }
0x14: {  	s28 =	sadd.s32 $0xFFFE7980, s17;
	s17 =	ssub.s32 $0x18700, s17;
	s27 =	sshrl.u32 s23, $0x17  }
0x15: {  	s20 =	sshrl.u32 s20, $0x10;
	s23 =	smov.u32 s11;
	s22 =	smul.u32 $0xF0, s27  }
0x16: {  	p1 =	sgt.s32 s28, $0x7F;
	s20 =	smul.u32 $0x18700, s20;
	s23 =	simm.s32 @!p0 $0x70  }
0x17: {  	s17 =	simm.s32 @p1 $0x0;
	s29 =	ssub.s32 $0xF0, s23;
	s21 =	ssub.s32 s21, s22  }
0x18: {  	s19 =	ssub.s32 s19, s20;
	s17 =	smul.u32 s29, s17;
	s30 =	sand.u32 $0xFFFF, s21  }
0x19: {  	s31 =	sshrl.u32 s19, $0x3;
	s19 =	sand.u32 $0x7, s19;
	s20 =	smul.u32 $0x30E0, s30  }
0x1a: {  	s18 =	sor.u32 $0x8000, s18;
	s19 =	sshll.u32 s19, $0x12;
	s21 =	sadd.s32 s2, s31  }
0x1b: {  	s19 =	sor.u32 $0x400, s19;
	s17 =	sand.u32 $0x3FFFFFF0, s17;
	s20 =	sadd.s32 s20, s21  }
0x1c: {  	[hbm4b:s20+s19] =	stream.strided.scatter [tilespmem:s18], [sflag:$0x2], s17, s10, s19, $0x20;
	[tilespmem:$0x10100] =	vst v63  }
.LBB1_8:
0x1d: {  	p0 =	slt.u32 s14, $0x2  }
0x1e: {  	p1 =	sgt.s32 @!p0 s16, $0x18680  }
0x1f: {  	s17 =	smov.u32 s16;
	s18 =	sshra.s32 @!p0 s16, $0x1F;
	p1 =	por !p1, p0  }
0x20: {  	s16 =	sand.u32 @!p0 s18, s16;
	s17 =	simm.s32 @p1 $0x18680  }
0x21: {  	s16 =	ssub.s32 @!p0 s17, s16  }
0x22: {  	p1 =	sgt.s32 @!p0 s15, $0x70;
	s17 =	sadd.s32 @!p0 $0xFFFE7980, s16  }
0x23: {  	s18 =	sadd.s32 $0x800, s12;
	p1 =	por !p1, p0;
	p2 =	sgt.s32 @!p0 s17, $0x7F  }
0x24: {  	s15 =	simm.s32 @p1 $0x70;
	s16 =	ssub.s32 @!p0 $0x18700, s16;
	p1 =	por !p2, p0  }
0x25: {  	s15 =	ssub.s32 @!p0 $0xF0, s15;
	s16 =	simm.s32 @!p1 $0x0;
	p1 =	sgt.s32 s18, $0x1869F  }
0x26: {  	s15 =	smul.u32 @!p0 s15, s16;
	s18 =	smov.u32 @p1 s4;
	p1 =	sne.s32 s14, s9  }
.Ltmp1:
0x27: {  	s20 =	sadd.s32 $0x1, s14;
	(pc) =	sbr.rel @!p1 .LBB1_9-.Ltmp1, $4  }
0x28: {  	s17 =	simm.s32 @!p0 $0x2;
	s16 =	smov.u32 s13;
	s15 =	sand.u32 @!p0 $0x3FFFFFFF, s15  }
0x29: {  	s13 =	smov.u32 s12;
	s14 =	smov.u32 s20;
	_ =	swait.ge @!p0 [sflag:s17], s15  }
0x2a: {  	s12 =	smov.u32 s18;
	s19 =	ssub.s32 @!p0 $0x0, s15;
	[sflag:s17] =	ssyncset.done @!p0 $0x0  }
0x2b: {  	s15 =	smov.u32 s11;
	s11 =	smov.u32 s5;
	[sflag:s17] =	ssyncadd.s32 @!p0 s19  }
.LBB1_1:
0x2c: {  	p0 =	sgt.u32 s14, s7  }
0x2d: {  	s17 =	sshll.u32 @!p0 s12, $0x8  }
0x2e: {  	s18 =	sshll.u32 @!p0 s12, $0x7;
	s17 =	sand.u32 @!p0 $0xFFFFF800, s17  }
0x2f: {  	s18 =	sand.u32 @!p0 $0x300, s18;
	s17 =	sor.u32 @!p0 s8, s17  }
0x30: {  	s17 =	sor.u32 @!p0 s18, s17  }
0x31: {  	s19 =	smov.u32 s12;
	p1 =	sgt.s32 @!p0 s12, $0x18620;
	s17 =	sshrl.u32 @!p0 s17, $0x8  }
0x32: {  	s20 =	sshra.s32 @!p0 s12, $0x1F;
	p1 =	por !p1, p0;
	s18 =	smulhi.u32 @!p0 $0x14F8B59, s17  }
0x33: {  	s20 =	sand.u32 @!p0 s20, s12;
	s19 =	simm.s32 @p1 $0x18620  }
0x34: {  	s21 =	sxor.u32 @!p0 $0xFFFFFFFF, s14;
	s19 =	ssub.s32 @!p0 s19, s20;
	s18 =	sshrl.u32 @!p0 s18, $0x9  }
0x35: {  	s20 =	sshll.u32 @!p0 s21, $0xE;
	s19 =	sadd.s32 @!p0 $0xFFFE79E0, s19;
	s18 =	smul.u32 @!p0 $0x186A0, s18  }
0x36: {  	s21 =	simm.s32 @!p0 $0x800;
	s20 =	sand.u32 @!p0 $0x4000, s20;
	p1 =	sgt.s32 @!p0 s19, $0x7F  }
0x37: {  	s17 =	ssub.s32 @!p0 s17, s18;
	s18 =	sshll.u32 @!p0 s19, $0x7;
	s19 =	sshll.u32 @!p0 s12, $0x4  }
0x38: {  	p1 =	por !p1, p0;
	s18 =	ssub.s32 @!p0 $0x4000, s18;
	s19 =	sand.u32 @!p0 $0x10, s19  }
0x39: {  	s17 =	sshll.u32 @!p0 s17, $0x5;
	s18 =	sand.u32 @!p0 $0x3FFFFF80, s18;
	s19 =	sadd.s32 @!p0 s3, s19  }
0x3a: {  	s18 =	simm.s32 @!p1 $0x0;
	s17 =	sadd.s32 @!p0 s17, s19;
	s19 =	simm.s32 @!p0 $0x400  }
0x3b: {  	[tilespmem:s20], [sflag:$0x1] =	stream.strided.gather @!p0 [hbm4b:s17+s19], s18, s21, s19, $0x38;
	[tilespmem:$0x10100] =	vst v63  }
0x3c: {  	p0 =	seq.s32 s14, $0x0  }
0x3d: {  	p1 =	sge.u32 @!p0 s14, s9  }
0x3e: {  	p0 =	por p0, p1  }
.Ltmp2:
0x3f: {  	_ = 	snop;
	(pc) =	sbr.rel @p0 .LBB1_8-.Ltmp2, $1  }
0x40: {  	_ =	sdelay $0x3  }
0x41: {  	s17 =	ssub.s32 $0x0, s13  }
0x42: {  	s18 =	sshra.s32 s13, $0x1F;
	p0 =	sgt.s32 s13, $0x18620;
	s19 =	smov.u32 s13  }
0x43: {  	s17 =	sand.u32 s17, s18;
	s19 =	simm.s32 @!p0 $0x18620  }
0x44: {  	s18 =	sadd.s32 s17, s19;
	s19 =	sadd.s32 $0x80, s13  }
0x45: {  	s21 =	smov.u32 s11;
	p0 =	slt.s32 s19, $0x186A0  }
0x46: {  	s18 =	sadd.s32 $0xFFFE79E0, s18;
	s19 =	simm.s32 @!p0 $0x186A0;
	p0 =	slt.s32 s11, $0x70  }
0x47: {  	s20 =	sshll.u32 s18, $0x7;
	p1 =	sgt.s32 s18, $0x7F;
	s21 =	simm.s32 @!p0 $0x70  }
0x48: {  	s30 =	ssub.s32 $0x4000, s20;
	s19 =	ssub.s32 s19, s13;
	s31 =	ssub.s32 s21, s11  }
0x49: {  	s18 =	sand.u32 $0x3FFFFF80, s30;
	p0 =	slt.s32 s19, $0x1;
	s20 =	sadd.s32 $0x80, s31  }
0x4a: {  	s18 =	simm.s32 @p1 $0x0;
	p1 =	seq.s32 @!p0 s20, $0x0  }
0x4b: {  	p1 =	por p0, p1  }
.Ltmp3:
0x4c: {  	_ = 	snop;
	(pc) =	sbr.rel @p1 .LBB1_7-.Ltmp3, $4  }
0x4d: {  	_ = 	snop  }
0x4e: {  	_ =	swait.ge [sflag:s6], s18  }
0x4f: {  	s21 =	sand.u32 $0x1, s14;
	s18 =	ssub.s32 $0x0, s18;
	[sflag:s6] =	ssyncset.done $0x0  }
0x50: {  	[sflag:s6] =	ssyncadd.s32 s18;
	s18 =	smul.u32 $0x4080, s21  }
0x51: {  	_ = 	snop  }
0x52: {  	s21 =	sshll.u32 @!p0 s21, $0xE;
	s23 =	simm.s32 $0x0;
	s22 =	sor.u32 @!p0 $0x8000, s18  }
.LBB1_4:
0x53: {  	s24 =	sshll.u32 s23, $0x7;
	s25 =	sshrl.u32 s23, $0x4  }
0x54: {  	s27 =	sand.u32 $0x7F, s23;
	s28 =	simm.s32 $0x0;
	s26 =	sand.u32 $0x380, s24  }
0x55: {  	s29 =	simm.s32 $0x0;
	s27 =	sadd.s32 s27, s22;
	s26 =	sadd.s32 s26, s21  }
.LBB1_5:
0x56: {  	s30 =	sand.u32 $0x3C00, s28  }
0x57: {  	s30 =	sadd.s32 s24, s30  }
0x58: {  	s30 =	sand.u32 $0x3C00, s30  }
0x59: {  	s31 =	sand.u32 $0x70, s29;
	s30 =	sadd.s32 s30, s26  }
0x5a: {  	s30 =	sadd.s32 s31, s30;
	s31 =	sadd.s32 s29, s25  }
0x5b: {  	s29 =	sadd.s32 $0x10, s29;
	s31 =	sand.u32 $0x78, s31  }
0x5c: {  	v0 =	vld [tilespmem:s30+$0x0];
	p0 =	slt.u32 s29, s20;
	s30 =	smul.u32 $0x204, s31  }
.Ltmp4:
0x5d: {  	_ = 	snop;
	(pc) =	sbr.rel @p0 .LBB1_5-.Ltmp4, $4  }
0x5e: {  	_ = 	snop  }
0x5f: {  	s30 =	sshrl.u32 s30, $0x2  }
0x60: {  	s30 =	sadd.s32 s30, s27  }
0x61: {  	s28 =	sadd.s32 $0x80, s28;
	[tilespmem:s30+$0x0 ss:$0x81] =	vst.msk $0xffff, v0  }
0x62: {  	s23 =	sadd.s32 $0x1, s23  }
0x63: {  	p0 =	sne.s32 s23, s19  }
.Ltmp5:
0x64: {  	_ = 	snop;
	(pc) =	sbr.rel @p0 .LBB1_4-.Ltmp5, $4  }
.Ltmp6:
0x65: {  	_ = 	snop;
	(pc) =	sbr.rel @!p0 .LBB1_7-.Ltmp6, $4  }
0x66: {  	_ = 	snop  }
0x67: {  	_ = 	snop  }
0x68: {  	_ = 	snop  }
0x69: {  	_ = 	snop  }
.LBB1_9:
0x6a: {  	_ =	sfence.sel $0x180000  }
0x6b: {  	s2 =	simm.s32 $0x1;
	[bflag:$0x0] =	sbarrier.arrive $0xFFFF  }
0x6c: {  	s31 =	simm.s32 $0x2;
	[sflag:s2] =	ssyncpa.u1 $0x1  }
0x6d: {  	[sflag:s31] =	ssyncpa.u1 $0x1  }
0x6e: {  	p0 =	sne.s32 s1, $0x0;
	_ =	strace $0x9000004D  }
0x6f: {  	s0 =	sadd.s32 @!p0 $0x100000, s0;
	[bflag:$0x2] =	sbarrier.arrive $0xFFFF  }
0x70: {  	[sflag:s0] =	ssyncadd.tile.s32 @!p0 $0x1;
	_ =	shalt  }
.Lfunc_end1:
_tile_overlayer_lowered:
.L_overlay_start_2:
0x71: {  	(tag) =	ssettag $0x2  }
0x72: {  	s0 =	rddreg [dreg:$0x0];
	s2 =	stileid.u32  }
0x73: {  	s1 =	rddreg [dreg:$0x1];
	p0 =	sne.s32 s2, $0x0  }
0x74: {  	s3 =	rddreg [dreg:$0x2];
	[bflag:$0x3] =	sbarrier.arrive $0xFFFF;
	s2 =	simm.s32 @!p0 $0x1C01  }
0x75: {  	[timem:s3], [sflag:s2] =	dma.local @!p0 [hbm:s0], s1  }
0x76: {  	s0 =	simm.s32 @!p0 $0x1  }
0x77: {  	_ =	swait.ge @!p0 [sflag:s0], s1  }
0x78: {  	s1 =	ssub.s32 @!p0 $0x0, s1;
	[sflag:s0] =	ssyncset.done @!p0 $0x0  }
0x79: {  	[sflag:s0] =	ssyncadd.s32 @!p0 s1  }
0x7a: {  	[bflag:$0x3] =	sbarrier.arrive $0xFFFF  }
0x7b: {  	_ =	shalt  }

</sc_bundles>
